<compile_context>
chip_gen: v7x
topology: tpu7x:2x2x1
jax: 0.10.2.dev20260603
libtpu: 0.0.44.dev20260713+nightly
codegen_flags: <defaults>
</compile_context>

<pallas_src>
import functools

import jax
import jax.numpy as jnp
from jax import lax
from jax.experimental import pallas as pl
from jax.experimental.pallas import tpu as pltpu
from jax.experimental.pallas import tpu_sc as plsc

_TEMP = 0.05
_INV_TEMP = 1.0 / _TEMP
_NUM_CLUSTERS = 100000
_DIM = 64
_BATCH = 1024

_C_BLK = 4096
_NB = -(-_NUM_CLUSTERS // _C_BLK)
_HALF = _C_BLK // 2
_NPACK = _NB * _HALF

_LOG2E = 1.4426950408889634
_LN2 = 0.6931471805599453



@functools.cache
def _make_sc_gather():
    nc, ns = 2, 16
    nw = nc * ns
    b_per_w = _BATCH // nw
    mesh = plsc.VectorSubcoreMesh(core_axis_name="c", subcore_axis_name="s")

    @functools.partial(
        pl.kernel,
        mesh=mesh,
        out_type=(
            jax.ShapeDtypeStruct((_BATCH, 2 * _DIM), jnp.float32),
            jax.ShapeDtypeStruct((_BATCH,), jnp.float32),
        ),
        scratch_types=[
            pltpu.VMEM((b_per_w,), jnp.int32),
            pltpu.VMEM((b_per_w,), jnp.int32),
            pltpu.VMEM((b_per_w,), jnp.float32),
            pltpu.VMEM((b_per_w, 2 * _DIM), jnp.float32),
            pltpu.SemaphoreType.DMA,
        ],
    )
    def gather_rows(table_hbm, idx_hbm, out_hbm, par_hbm,
                    idx_v, pair_v, parf_v, rows_v, sem):
        wid = lax.axis_index("s") * nc + lax.axis_index("c")
        base = wid * b_per_w
        pltpu.sync_copy(idx_hbm.at[pl.ds(base, b_per_w)], idx_v)
        for w in range(b_per_w // 16):
            t = idx_v[pl.ds(w * 16, 16)]
            blk = lax.shift_right_logical(t, 12)
            off = t & (_C_BLK - 1)
            pair_v[pl.ds(w * 16, 16)] = blk * _HALF + (off & (_HALF - 1))
            parf_v[pl.ds(w * 16, 16)] = (
                lax.shift_right_logical(off, 11) & 1).astype(jnp.float32)
        pltpu.async_copy(table_hbm.at[pair_v], rows_v, sem).wait()
        pltpu.sync_copy(rows_v, out_hbm.at[pl.ds(base, b_per_w)])
        pltpu.sync_copy(parf_v, par_hbm.at[pl.ds(base, b_per_w)])

    return gather_rows



def _lse_body(ft_ref, memt_ref, out_ref, packed_ref, s_ref):
    i = pl.program_id(0)

    @pl.when(i == 0)
    def _init():
        s_ref[...] = jnp.zeros((_BATCH, 1), jnp.float32)

    memt = memt_ref[...]
    eye = (lax.broadcasted_iota(jnp.int32, (_DIM, _DIM), 0) ==
           lax.broadcasted_iota(jnp.int32, (_DIM, _DIM), 1)).astype(jnp.bfloat16)
    mem = lax.dot_general(
        memt.astype(jnp.bfloat16), eye, (((0,), (0,)), ((), ())),
        preferred_element_type=jnp.float32)
    packed_ref[...] = jnp.concatenate(
        [mem[:_HALF, :], mem[_HALF:, :]], axis=1)
    col = lax.broadcasted_iota(jnp.int32, (1, _C_BLK), 1)
    memt = jnp.where(col < _NUM_CLUSTERS - i * _C_BLK, memt, 0.0)
    ft = ft_ref[...] * (_INV_TEMP * _LOG2E)
    bound = lax.transpose(
        jnp.sqrt(jnp.sum(ft * ft, axis=0, keepdims=True)), (1, 0)) - 100.0
    scores = lax.dot_general(
        ft.astype(jnp.bfloat16), memt.astype(jnp.bfloat16),
        (((0,), (0,)), ((), ())),
        preferred_element_type=jnp.float32,
    )
    s_ref[...] += jnp.sum(jnp.exp2(scores - bound), axis=1, keepdims=True)

    @pl.when(i == _NB - 1)
    def _final():
        out_ref[...] = bound + jnp.log2(jnp.maximum(s_ref[...], 1e-37))


def _combine_body(f_ref, pair_ref, par_ref, lse2_ref, out_ref):
    f = f_ref[...] * (_INV_TEMP * _LOG2E)
    par = par_ref[...]
    row = pair_ref[:, :_DIM] * (1.0 - par) + pair_ref[:, _DIM:] * par
    tl = jnp.sum(f * row, axis=1, keepdims=True)
    out_ref[0, 0] = jnp.mean((lse2_ref[...] - tl) * _LN2)


_lse_call = pl.pallas_call(
    _lse_body,
    grid=(_NB,),
    in_specs=[
        pl.BlockSpec((_DIM, _BATCH), lambda i: (0, 0)),
        pl.BlockSpec((_DIM, _C_BLK), lambda i: (0, i)),
    ],
    out_specs=[
        pl.BlockSpec((_BATCH, 1), lambda i: (0, 0)),
        pl.BlockSpec((_HALF, 2 * _DIM), lambda i: (i, 0)),
    ],
    out_shape=[
        jax.ShapeDtypeStruct((_BATCH, 1), jnp.float32),
        jax.ShapeDtypeStruct((_NPACK, 2 * _DIM), jnp.float32),
    ],
    scratch_shapes=[
        pltpu.VMEM((_BATCH, 1), jnp.float32),
    ],
)


_combine_call = pl.pallas_call(
    _combine_body,
    out_specs=pl.BlockSpec(memory_space=pltpu.SMEM),
    out_shape=jax.ShapeDtypeStruct((1, 1), jnp.float32),
)


def kernel(features, targets, cluster_memory):
    lse2, packed = _lse_call(features.T, cluster_memory.T)
    pair_rows, parity = _make_sc_gather()(packed, targets)
    loss = _combine_call(features, pair_rows, parity[:, None], lse2)
    return loss[0, 0]

# --- scband reference (transcript-rebuilt; emitter-appended) ---
"""Pipeline reference for scband-cluster-memory-baseline-19765439496771 (READ-ONLY COPY).

The authoritative reference and input builder live on the scoring server;
editing this copy changes nothing except your own understanding.
"""

import jax, jax.numpy as jnp
import numpy as np

TEMP = 0.05
MOMENTUM = 0.2
NUM_CLUSTERS = 100000
DIM = 64
BATCH = 1024


def setup_inputs(seed: int = 0) -> dict:
    key = jax.random.key(seed)
    k1, k2, k3 = jax.random.split(key, 3)
    features = jax.random.normal(k1, (BATCH, DIM), dtype=jnp.float32)
    targets = jax.random.randint(k2, (BATCH,), 0, NUM_CLUSTERS, dtype=jnp.int32)
    mem = jax.random.normal(k3, (NUM_CLUSTERS, DIM), dtype=jnp.float32)
    # cluster memory rows are L2-normalized exemplar centroids
    mem = mem / (jnp.linalg.norm(mem, axis=1, keepdims=True) + 1e-12)
    return {"features": features, "targets": targets, "cluster_memory": mem}


def reference(features, targets, cluster_memory):
    # ExemplarMemory.forward: logits = features @ memory^T (memory treated as non-learned buffer)
    logits = features @ cluster_memory.T
    logits = logits / TEMP
    # F.cross_entropy with integer class targets
    logp = jax.nn.log_softmax(logits, axis=-1)
    nll = -jnp.take_along_axis(logp, targets[:, None].astype(jnp.int32), axis=1)[:, 0]
    loss = jnp.mean(nll)
    return loss

if __name__ == "__main__":
    import jax
    _d = setup_inputs()
    print(jax.jit(kernel)(*tuple(_d.values())))

</pallas_src>

<mosaic_0001>
#map = affine_map<(d0, d1) -> (0, 0)>
#map1 = affine_map<(d0, d1) -> (0)>
module attributes {stable_mosaic.version = 14 : i64} {
  func.func @gather_rows(%arg0: i32, %arg1: i32, %arg2: memref<51200x128xf32, #tpu.memory_space<hbm>>, %arg3: memref<1024xi32, #tpu.memory_space<hbm>>, %arg4: memref<1024x128xf32, #tpu.memory_space<hbm>>, %arg5: memref<1024xf32, #tpu.memory_space<hbm>>, %arg6: memref<32xi32, #tpu.memory_space<vmem>>, %arg7: memref<32xi32, #tpu.memory_space<vmem>>, %arg8: memref<32xf32, #tpu.memory_space<vmem>>, %arg9: memref<32x128xf32, #tpu.memory_space<vmem>>, %arg10: memref<!tpu.dma_semaphore, #tpu.memory_space<semaphore_mem>>) attributes {dimension_semantics = [#tpu.dimension_semantics<core_parallel>, #tpu.dimension_semantics<subcore_parallel>], iteration_bounds = array<i64: 2, 16>, scalar_prefetch = 0 : i64, scratch_operands = 5 : i64, tpu.core_type = #tpu.core_type<sc_vector_subcore>, window_params = [{transform_indices = #map}, {transform_indices = #map1}, {transform_indices = #map}, {transform_indices = #map1}]} {
    %mul3A = arith.constant 2 : i32
    %mul3A_0 = arith.muli %arg1, %mul3A : i32
    %add3A = arith.addi %mul3A_0, %arg0 : i32
    %mul3A_1 = arith.constant 32 : i32
    %mul3A_2 = arith.muli %add3A, %mul3A_1 : i32
    "tpu.region"() ({
      %run_scoped3A = tpu.sem_alloc : memref<!tpu.dma_semaphore, #tpu.memory_space<semaphore_mem>>
      %dma_start3A_64 = tpu.memref_slice %arg3[%mul3A_2] : memref<1024xi32, #tpu.memory_space<hbm>> -> memref<32xi32, #tpu.memory_space<hbm>>
      %dma_start3A_65 = tpu.memref_slice %arg3[%mul3A_2] : memref<1024xi32, #tpu.memory_space<hbm>> -> memref<32xi32, #tpu.memory_space<hbm>>
      tpu.enqueue_dma source(%dma_start3A_65 : memref<32xi32, #tpu.memory_space<hbm>>) target(%arg6 : memref<32xi32, #tpu.memory_space<vmem>>) target_semaphore(%run_scoped3A : memref<!tpu.dma_semaphore, #tpu.memory_space<semaphore_mem>>)
      %dma_wait3A_66 = tpu.memref_slice %arg3[%mul3A_2] : memref<1024xi32, #tpu.memory_space<hbm>> -> memref<32xi32, #tpu.memory_space<hbm>>
      %dma_wait3A_67 = tpu.memref_slice %arg3[%mul3A_2] : memref<1024xi32, #tpu.memory_space<hbm>> -> memref<32xi32, #tpu.memory_space<hbm>>
      tpu.wait_dma2 semaphore(%run_scoped3A : memref<!tpu.dma_semaphore, #tpu.memory_space<semaphore_mem>>) src(%dma_wait3A_67 : memref<32xi32, #tpu.memory_space<hbm>>) dst(%arg6 : memref<32xi32, #tpu.memory_space<vmem>>)
      tpu.yield
    }) : () -> ()
    %get3A = arith.constant 0 : index
    %get3A_3 = tpu.vector_load %arg6[%get3A] {strides = array<i32>} : memref<32xi32, #tpu.memory_space<vmem>>, vector<16xi32>,
    %get3A_4 = vector.shape_cast %get3A_3 : vector<16xi32> to vector<16xi32>
    %shift_right_logical3A = arith.constant 12 : i32
    %shift_right_logical3A_5 = vector.broadcast %shift_right_logical3A : i32 to vector<16xi32>
    %shift_right_logical3A_6 = arith.shrui %get3A_4, %shift_right_logical3A_5 : vector<16xi32>
    %and3A = arith.constant 4095 : i32
    %and3A_7 = vector.broadcast %and3A : i32 to vector<16xi32>
    %and3A_8 = arith.andi %get3A_4, %and3A_7 : vector<16xi32>
    %mul3A_9 = arith.constant 2048 : i32
    %mul3A_10 = vector.broadcast %mul3A_9 : i32 to vector<16xi32>
    %mul3A_11 = arith.muli %shift_right_logical3A_6, %mul3A_10 : vector<16xi32>
    %and3A_12 = arith.constant 2047 : i32
    %and3A_13 = vector.broadcast %and3A_12 : i32 to vector<16xi32>
    %and3A_14 = arith.andi %and3A_8, %and3A_13 : vector<16xi32>
    %add3A_15 = arith.addi %mul3A_11, %and3A_14 : vector<16xi32>
    %swap3A = arith.constant 0 : index
    %swap3A_16 = tpu.vector_load %arg7[%swap3A] {strides = array<i32>} : memref<32xi32, #tpu.memory_space<vmem>>, vector<16xi32>,
    %swap3A_17 = vector.shape_cast %swap3A_16 : vector<16xi32> to vector<16xi32>
    %swap3A_18 = vector.shape_cast %add3A_15 : vector<16xi32> to vector<16xi32>
    tpu.vector_store %arg7[%swap3A], %swap3A_18 {strides = array<i32>} : memref<32xi32, #tpu.memory_space<vmem>>, vector<16xi32>,
    %shift_right_logical3A_19 = arith.constant 11 : i32
    %shift_right_logical3A_20 = vector.broadcast %shift_right_logical3A_19 : i32 to vector<16xi32>
    %shift_right_logical3A_21 = arith.shrui %and3A_8, %shift_right_logical3A_20 : vector<16xi32>
    %and3A_22 = arith.constant 1 : i32
    %and3A_23 = vector.broadcast %and3A_22 : i32 to vector<16xi32>
    %and3A_24 = arith.andi %shift_right_logical3A_21, %and3A_23 : vector<16xi32>
    %convert_element_type3A = arith.sitofp %and3A_24 : vector<16xi32> to vector<16xf32>
    %swap3A_25 = arith.constant 0 : index
    %swap3A_26 = tpu.vector_load %arg8[%swap3A_25] {strides = array<i32>} : memref<32xf32, #tpu.memory_space<vmem>>, vector<16xf32>,
    %swap3A_27 = vector.shape_cast %swap3A_26 : vector<16xf32> to vector<16xf32>
    %swap3A_28 = vector.shape_cast %convert_element_type3A : vector<16xf32> to vector<16xf32>
    tpu.vector_store %arg8[%swap3A_25], %swap3A_28 {strides = array<i32>} : memref<32xf32, #tpu.memory_space<vmem>>, vector<16xf32>,
    %get3A_29 = arith.constant 16 : index
    %get3A_30 = tpu.vector_load %arg6[%get3A_29] {strides = array<i32>} : memref<32xi32, #tpu.memory_space<vmem>>, vector<16xi32>,
    %get3A_31 = vector.shape_cast %get3A_30 : vector<16xi32> to vector<16xi32>
    %shift_right_logical3A_32 = arith.constant 12 : i32
    %shift_right_logical3A_33 = vector.broadcast %shift_right_logical3A_32 : i32 to vector<16xi32>
    %shift_right_logical3A_34 = arith.shrui %get3A_31, %shift_right_logical3A_33 : vector<16xi32>
    %and3A_35 = arith.constant 4095 : i32
    %and3A_36 = vector.broadcast %and3A_35 : i32 to vector<16xi32>
    %and3A_37 = arith.andi %get3A_31, %and3A_36 : vector<16xi32>
    %mul3A_38 = arith.constant 2048 : i32
    %mul3A_39 = vector.broadcast %mul3A_38 : i32 to vector<16xi32>
    %mul3A_40 = arith.muli %shift_right_logical3A_34, %mul3A_39 : vector<16xi32>
    %and3A_41 = arith.constant 2047 : i32
    %and3A_42 = vector.broadcast %and3A_41 : i32 to vector<16xi32>
    %and3A_43 = arith.andi %and3A_37, %and3A_42 : vector<16xi32>
    %add3A_44 = arith.addi %mul3A_40, %and3A_43 : vector<16xi32>
    %swap3A_45 = arith.constant 16 : index
    %swap3A_46 = tpu.vector_load %arg7[%swap3A_45] {strides = array<i32>} : memref<32xi32, #tpu.memory_space<vmem>>, vector<16xi32>,
    %swap3A_47 = vector.shape_cast %swap3A_46 : vector<16xi32> to vector<16xi32>
    %swap3A_48 = vector.shape_cast %add3A_44 : vector<16xi32> to vector<16xi32>
    tpu.vector_store %arg7[%swap3A_45], %swap3A_48 {strides = array<i32>} : memref<32xi32, #tpu.memory_space<vmem>>, vector<16xi32>,
    %shift_right_logical3A_49 = arith.constant 11 : i32
    %shift_right_logical3A_50 = vector.broadcast %shift_right_logical3A_49 : i32 to vector<16xi32>
    %shift_right_logical3A_51 = arith.shrui %and3A_37, %shift_right_logical3A_50 : vector<16xi32>
    %and3A_52 = arith.constant 1 : i32
    %and3A_53 = vector.broadcast %and3A_52 : i32 to vector<16xi32>
    %and3A_54 = arith.andi %shift_right_logical3A_51, %and3A_53 : vector<16xi32>
    %convert_element_type3A_55 = arith.sitofp %and3A_54 : vector<16xi32> to vector<16xf32>
    %swap3A_56 = arith.constant 16 : index
    %swap3A_57 = tpu.vector_load %arg8[%swap3A_56] {strides = array<i32>} : memref<32xf32, #tpu.memory_space<vmem>>, vector<16xf32>,
    %swap3A_58 = vector.shape_cast %swap3A_57 : vector<16xf32> to vector<16xf32>
    %swap3A_59 = vector.shape_cast %convert_element_type3A_55 : vector<16xf32> to vector<16xf32>
    tpu.vector_store %arg8[%swap3A_56], %swap3A_59 {strides = array<i32>} : memref<32xf32, #tpu.memory_space<vmem>>, vector<16xf32>,
    %dma_start3A = arith.constant 0 : i32
    %dma_start3A_60 = arith.constant 0 : i32
    %dma_start3A_61 = tpu.memref_slice %arg2[%dma_start3A, %dma_start3A_60] : memref<51200x128xf32, #tpu.memory_space<hbm>> -> memref<51200x128xf32, #tpu.memory_space<hbm>>
    tpu.enqueue_indirect_dma source(%dma_start3A_61 : memref<51200x128xf32, #tpu.memory_space<hbm>>) target(%arg9 : memref<32x128xf32, #tpu.memory_space<vmem>>) offsets(%arg7 : memref<32xi32, #tpu.memory_space<vmem>>) semaphore(%arg10 : memref<!tpu.dma_semaphore, #tpu.memory_space<semaphore_mem>>)
    %dma_wait3A = arith.constant 0 : i32
    %dma_wait3A_62 = arith.constant 0 : i32
    %dma_wait3A_63 = tpu.memref_slice %arg2[%dma_wait3A, %dma_wait3A_62] : memref<51200x128xf32, #tpu.memory_space<hbm>> -> memref<51200x128xf32, #tpu.memory_space<hbm>>
    tpu.wait_indirect_dma semaphore(%arg10 : memref<!tpu.dma_semaphore, #tpu.memory_space<semaphore_mem>>) src(%dma_wait3A_63 : memref<51200x128xf32, #tpu.memory_space<hbm>>) dst(%arg9 : memref<32x128xf32, #tpu.memory_space<vmem>>)
    "tpu.region"() ({
      %run_scoped3A = tpu.sem_alloc : memref<!tpu.dma_semaphore, #tpu.memory_space<semaphore_mem>>
      %dma_start3A_64 = arith.constant 0 : i32
      %dma_start3A_65 = tpu.memref_slice %arg4[%mul3A_2, %dma_start3A_64] : memref<1024x128xf32, #tpu.memory_space<hbm>> -> memref<32x128xf32, #tpu.memory_space<hbm>>
      %dma_start3A_66 = arith.constant 0 : i32
      %dma_start3A_67 = tpu.memref_slice %arg4[%mul3A_2, %dma_start3A_66] : memref<1024x128xf32, #tpu.memory_space<hbm>> -> memref<32x128xf32, #tpu.memory_space<hbm>>
      tpu.enqueue_dma source(%arg9 : memref<32x128xf32, #tpu.memory_space<vmem>>) target(%dma_start3A_67 : memref<32x128xf32, #tpu.memory_space<hbm>>) target_semaphore(%run_scoped3A : memref<!tpu.dma_semaphore, #tpu.memory_space<semaphore_mem>>)
      %dma_wait3A_68 = arith.constant 0 : i32
      %dma_wait3A_69 = tpu.memref_slice %arg4[%mul3A_2, %dma_wait3A_68] : memref<1024x128xf32, #tpu.memory_space<hbm>> -> memref<32x128xf32, #tpu.memory_space<hbm>>
      %dma_wait3A_70 = arith.constant 0 : i32
      %dma_wait3A_71 = tpu.memref_slice %arg4[%mul3A_2, %dma_wait3A_70] : memref<1024x128xf32, #tpu.memory_space<hbm>> -> memref<32x128xf32, #tpu.memory_space<hbm>>
      tpu.wait_dma2 semaphore(%run_scoped3A : memref<!tpu.dma_semaphore, #tpu.memory_space<semaphore_mem>>) src(%arg9 : memref<32x128xf32, #tpu.memory_space<vmem>>) dst(%dma_wait3A_71 : memref<32x128xf32, #tpu.memory_space<hbm>>)
      tpu.yield
    }) : () -> ()
    "tpu.region"() ({
      %run_scoped3A = tpu.sem_alloc : memref<!tpu.dma_semaphore, #tpu.memory_space<semaphore_mem>>
      %dma_start3A_64 = tpu.memref_slice %arg5[%mul3A_2] : memref<1024xf32, #tpu.memory_space<hbm>> -> memref<32xf32, #tpu.memory_space<hbm>>
      %dma_start3A_65 = tpu.memref_slice %arg5[%mul3A_2] : memref<1024xf32, #tpu.memory_space<hbm>> -> memref<32xf32, #tpu.memory_space<hbm>>
      tpu.enqueue_dma source(%arg8 : memref<32xf32, #tpu.memory_space<vmem>>) target(%dma_start3A_65 : memref<32xf32, #tpu.memory_space<hbm>>) target_semaphore(%run_scoped3A : memref<!tpu.dma_semaphore, #tpu.memory_space<semaphore_mem>>)
      %dma_wait3A_66 = tpu.memref_slice %arg5[%mul3A_2] : memref<1024xf32, #tpu.memory_space<hbm>> -> memref<32xf32, #tpu.memory_space<hbm>>
      %dma_wait3A_67 = tpu.memref_slice %arg5[%mul3A_2] : memref<1024xf32, #tpu.memory_space<hbm>> -> memref<32xf32, #tpu.memory_space<hbm>>
      tpu.wait_dma2 semaphore(%run_scoped3A : memref<!tpu.dma_semaphore, #tpu.memory_space<semaphore_mem>>) src(%arg8 : memref<32xf32, #tpu.memory_space<vmem>>) dst(%dma_wait3A_67 : memref<32xf32, #tpu.memory_space<hbm>>)
      tpu.yield
    }) : () -> ()
    return
  }
}

module attributes {stable_mosaic.version = 14 : i64} {
  func.func @_lse_body(%arg0: i32, %arg1: memref<64x1024xf32, #tpu.memory_space<vmem>>, %arg2: memref<64x4096xf32, #tpu.memory_space<vmem>>, %arg3: memref<1024x1xf32, #tpu.memory_space<vmem>>, %arg4: memref<2048x128xf32, #tpu.memory_space<vmem>>, %arg5: memref<1024x1xf32, #tpu.memory_space<vmem>>) attributes {dimension_semantics = [#tpu.dimension_semantics<arbitrary>], iteration_bounds = array<i64: 25>, scalar_prefetch = 0 : i64, scratch_operands = 1 : i64, tpu.core_type = #tpu.core_type<tc>, window_params = [{pipeline_mode = #tpu.pipeline_mode<synchronous>, transform_indices = @transform_0, window_bounds = array<i64: 64, 1024>}, {transform_indices = @transform_1, window_bounds = array<i64: 64, 4096>}, {pipeline_mode = #tpu.pipeline_mode<synchronous>, transform_indices = @transform_2, window_bounds = array<i64: 1024, 1>}, {transform_indices = @transform_3, window_bounds = array<i64: 2048, 128>}]} {
    %eq3A = arith.constant 0 : i32
    %eq3A_0 = arith.cmpi eq, %arg0, %eq3A : i32
    %convert_element_type3A = arith.extui %eq3A_0 : i1 to i32
    %cond3A = arith.constant 0 : i32
    %cond3A_1 = arith.cmpi ne, %convert_element_type3A, %cond3A : i32
    scf.if %cond3A_1 {
      %broadcast_in_dim3A_52 = arith.constant 0.000000e+00 : f32
      %broadcast_in_dim3A_53 = vector.broadcast %broadcast_in_dim3A_52 : f32 to vector<1024x1xf32>
      %swap3A_54 = arith.constant 0 : index
      %swap3A_55 = arith.constant 0 : index
      %swap3A_56 = vector.load %arg5[%swap3A_54, %swap3A_55] : memref<1024x1xf32, #tpu.memory_space<vmem>>, vector<1024x1xf32>
      tpu.vector_store %arg5[%swap3A_54, %swap3A_55], %broadcast_in_dim3A_53 {strides = array<i32>} : memref<1024x1xf32, #tpu.memory_space<vmem>>, vector<1024x1xf32>,
    } else {
    }
    %get3A = arith.constant 0 : index
    %get3A_2 = arith.constant 0 : index
    %get3A_3 = vector.load %arg2[%get3A, %get3A_2] : memref<64x4096xf32, #tpu.memory_space<vmem>>, vector<64x4096xf32>
    %iota3A = tpu.iota {dimensions = array<i32: 0>} : vector<64x64xi32>
    %iota3A_4 = tpu.iota {dimensions = array<i32: 1>} : vector<64x64xi32>
    %eq3A_5 = arith.cmpi eq, %iota3A, %iota3A_4 : vector<64x64xi32>
    %convert_element_type3A_6 = arith.extui %eq3A_5 : vector<64x64xi1> to vector<64x64xi32>
    %convert_element_type3A_7 = arith.sitofp %convert_element_type3A_6 : vector<64x64xi32> to vector<64x64xf32>
    %convert_element_type3A_8 = arith.truncf %convert_element_type3A_7 : vector<64x64xf32> to vector<64x64xbf16>
    %convert_element_type3A_9 = arith.truncf %get3A_3 : vector<64x4096xf32> to vector<64x4096xbf16>
    %dot_general3A = arith.constant dense<0.000000e+00> : vector<4096x64xf32>
    %dot_general3A_10 = tpu.matmul %convert_element_type3A_9, %convert_element_type3A_8, %dot_general3A {dimension_numbers = #tpu.dot_dimension_numbers<[0], [0], [1], [1], [0, 1, 1, 1], [], []>, transpose_lhs_hint = false} : vector<64x4096xbf16>, vector<64x64xbf16>, vector<4096x64xf32> -> vector<4096x64xf32>
    %slice3A = vector.extract_strided_slice %dot_general3A_10 {offsets = [0, 0], sizes = [2048, 64], strides = [1, 1]} : vector<4096x64xf32> to vector<2048x64xf32>
    %slice3A_11 = vector.extract_strided_slice %dot_general3A_10 {offsets = [2048, 0], sizes = [2048, 64], strides = [1, 1]} : vector<4096x64xf32> to vector<2048x64xf32>
    %concatenate3A = tpu.concatenate %slice3A, %slice3A_11 in 1 : vector<2048x64xf32>, vector<2048x64xf32> -> vector<2048x128xf32>
    %swap3A = arith.constant 0 : index
    %swap3A_12 = arith.constant 0 : index
    %swap3A_13 = vector.load %arg4[%swap3A, %swap3A_12] : memref<2048x128xf32, #tpu.memory_space<vmem>>, vector<2048x128xf32>
    tpu.vector_store %arg4[%swap3A, %swap3A_12], %concatenate3A {strides = array<i32>} : memref<2048x128xf32, #tpu.memory_space<vmem>>, vector<2048x128xf32>,
    %iota3A_14 = tpu.iota {dimensions = array<i32: 1>} : vector<1x4096xi32>
    %mul3A = arith.constant 4096 : i32
    %mul3A_15 = arith.muli %arg0, %mul3A : i32
    %sub3A = arith.constant 100000 : i32
    %sub3A_16 = arith.subi %sub3A, %mul3A_15 : i32
    %lt3A = vector.broadcast %sub3A_16 : i32 to vector<1x4096xi32>
    %lt3A_17 = arith.cmpi slt, %iota3A_14, %lt3A : vector<1x4096xi32>
    %jit3A = arith.constant 0.000000e+00 : f32
    %broadcast_in_dim3A = vector.shape_cast %lt3A_17 : vector<1x4096xi1> to vector<1x4096xi1>
    %broadcast_in_dim3A_18 = vector.broadcast %broadcast_in_dim3A : vector<1x4096xi1> to vector<64x4096xi1>
    %broadcast_in_dim3A_19 = vector.broadcast %jit3A : f32 to vector<64x4096xf32>
    %select_n3A = arith.select %broadcast_in_dim3A_18, %get3A_3, %broadcast_in_dim3A_19 : vector<64x4096xi1>, vector<64x4096xf32>
    %get3A_20 = arith.constant 0 : index
    %get3A_21 = arith.constant 0 : index
    %get3A_22 = vector.load %arg1[%get3A_20, %get3A_21] : memref<64x1024xf32, #tpu.memory_space<vmem>>, vector<64x1024xf32>
    %mul3A_23 = arith.constant 2.885390e+01 : f32
    %mul3A_24 = vector.broadcast %mul3A_23 : f32 to vector<64x1024xf32>
    %mul3A_25 = arith.mulf %get3A_22, %mul3A_24 : vector<64x1024xf32>
    %mul3A_26 = arith.mulf %mul3A_25, %mul3A_25 : vector<64x1024xf32>
    %reduce_sum3A = arith.constant dense<0.000000e+00> : vector<1024xf32>
    %reduce_sum3A_27 = vector.multi_reduction <add>, %mul3A_26, %reduce_sum3A [0] : vector<64x1024xf32> to vector<1024xf32>
    %broadcast_in_dim3A_28 = vector.shape_cast %reduce_sum3A_27 : vector<1024xf32> to vector<1x1024xf32>
    %sqrt3A = math.sqrt %broadcast_in_dim3A_28 : vector<1x1024xf32>
    %transpose3A = tpu.transpose %sqrt3A, [1, 0] : vector<1x1024xf32> -> vector<1024x1xf32>
    %sub3A_29 = arith.constant 1.000000e+02 : f32
    %sub3A_30 = vector.broadcast %sub3A_29 : f32 to vector<1024x1xf32>
    %sub3A_31 = arith.subf %transpose3A, %sub3A_30 : vector<1024x1xf32>
    %convert_element_type3A_32 = arith.truncf %mul3A_25 : vector<64x1024xf32> to vector<64x1024xbf16>
    %convert_element_type3A_33 = arith.truncf %select_n3A : vector<64x4096xf32> to vector<64x4096xbf16>
    %dot_general3A_34 = arith.constant dense<0.000000e+00> : vector<1024x4096xf32>
    %dot_general3A_35 = tpu.matmul %convert_element_type3A_32, %convert_element_type3A_33, %dot_general3A_34 {dimension_numbers = #tpu.dot_dimension_numbers<[0], [0], [1], [1], [0, 1, 1, 1], [], []>, transpose_lhs_hint = false} : vector<64x1024xbf16>, vector<64x4096xbf16>, vector<1024x4096xf32> -> vector<1024x4096xf32>
    %get3A_36 = arith.constant 0 : index
    %get3A_37 = arith.constant 0 : index
    %get3A_38 = vector.load %arg5[%get3A_36, %get3A_37] : memref<1024x1xf32, #tpu.memory_space<vmem>>, vector<1024x1xf32>
    %sub3A_39 = vector.broadcast %sub3A_31 : vector<1024x1xf32> to vector<1024x4096xf32>
    %sub3A_40 = arith.subf %dot_general3A_35, %sub3A_39 : vector<1024x4096xf32>
    %exp23A = math.exp2 %sub3A_40 : vector<1024x4096xf32>
    %reduce_sum3A_41 = arith.constant dense<0.000000e+00> : vector<1024xf32>
    %reduce_sum3A_42 = vector.multi_reduction <add>, %exp23A, %reduce_sum3A_41 [1] : vector<1024x4096xf32> to vector<1024xf32>
    %broadcast_in_dim3A_43 = vector.shape_cast %reduce_sum3A_42 : vector<1024xf32> to vector<1024x1xf32>
    %add3A = arith.addf %get3A_38, %broadcast_in_dim3A_43 : vector<1024x1xf32>
    %swap3A_44 = arith.constant 0 : index
    %swap3A_45 = arith.constant 0 : index
    %swap3A_46 = vector.load %arg5[%swap3A_44, %swap3A_45] : memref<1024x1xf32, #tpu.memory_space<vmem>>, vector<1024x1xf32>
    tpu.vector_store %arg5[%swap3A_44, %swap3A_45], %add3A {strides = array<i32>} : memref<1024x1xf32, #tpu.memory_space<vmem>>, vector<1024x1xf32>,
    %eq3A_47 = arith.constant 24 : i32
    %eq3A_48 = arith.cmpi eq, %arg0, %eq3A_47 : i32
    %convert_element_type3A_49 = arith.extui %eq3A_48 : i1 to i32
    %cond3A_50 = arith.constant 0 : i32
    %cond3A_51 = arith.cmpi ne, %convert_element_type3A_49, %cond3A_50 : i32
    scf.if %cond3A_51 {
      %get3A_52 = arith.constant 0 : index
      %get3A_53 = arith.constant 0 : index
      %get3A_54 = vector.load %arg5[%get3A_52, %get3A_53] : memref<1024x1xf32, #tpu.memory_space<vmem>>, vector<1024x1xf32>
      %max3A = arith.constant 9.99999991E-38 : f32
      %max3A_55 = vector.broadcast %max3A : f32 to vector<1024x1xf32>
      %max3A_56 = arith.maximumf %get3A_54, %max3A_55 : vector<1024x1xf32>
      %log3A = math.log %max3A_56 : vector<1024x1xf32>
      %log3A_57 = arith.constant 2.000000e+00 : f32
      %log3A_58 = math.log %log3A_57 : f32
      %div3A = vector.broadcast %log3A_58 : f32 to vector<1024x1xf32>
      %div3A_59 = arith.divf %log3A, %div3A : vector<1024x1xf32>
      %add3A_60 = arith.addf %sub3A_31, %div3A_59 : vector<1024x1xf32>
      %swap3A_61 = arith.constant 0 : index
      %swap3A_62 = arith.constant 0 : index
      %swap3A_63 = vector.load %arg3[%swap3A_61, %swap3A_62] : memref<1024x1xf32, #tpu.memory_space<vmem>>, vector<1024x1xf32>
      tpu.vector_store %arg3[%swap3A_61, %swap3A_62], %add3A_60 {strides = array<i32>} : memref<1024x1xf32, #tpu.memory_space<vmem>>, vector<1024x1xf32>,
    } else {
    }
    return
  }
  func.func @transform_0(%arg0: i32) -> (i32, i32) {
    %c0_i32 = arith.constant 0 : i32
    %c0_i32_0 = arith.constant 0 : i32
    %c0_i32_1 = arith.constant 0 : i32
    return %c0_i32, %c0_i32_0 : i32, i32
  }
  func.func @transform_1(%arg0: i32) -> (i32, i32) {
    %c0_i32 = arith.constant 0 : i32
    %c0_i32_0 = arith.constant 0 : i32
    return %c0_i32, %arg0 : i32, i32
  }
  func.func @transform_2(%arg0: i32) -> (i32, i32) {
    %c0_i32 = arith.constant 0 : i32
    %c0_i32_0 = arith.constant 0 : i32
    %c0_i32_1 = arith.constant 0 : i32
    return %c0_i32, %c0_i32_0 : i32, i32
  }
  func.func @transform_3(%arg0: i32) -> (i32, i32) {
    %c0_i32 = arith.constant 0 : i32
    %c0_i32_0 = arith.constant 0 : i32
    return %arg0, %c0_i32 : i32, i32
  }
}

module attributes {stable_mosaic.version = 14 : i64} {
  func.func @_combine_body(%arg0: memref<1024x64xf32, #tpu.memory_space<vmem>>, %arg1: memref<1024x128xf32, #tpu.memory_space<vmem>>, %arg2: memref<1024x1xf32, #tpu.memory_space<vmem>>, %arg3: memref<1024x1xf32, #tpu.memory_space<vmem>>, %arg4: memref<1x1xf32, #tpu.memory_space<smem>>) attributes {dimension_semantics = [], scalar_prefetch = 0 : i64, scratch_operands = 0 : i64, tpu.core_type = #tpu.core_type<tc>} {
    %get3A = arith.constant 0 : index
    %get3A_0 = arith.constant 0 : index
    %get3A_1 = vector.load %arg0[%get3A, %get3A_0] : memref<1024x64xf32, #tpu.memory_space<vmem>>, vector<1024x64xf32>
    %mul3A = arith.constant 2.885390e+01 : f32
    %mul3A_2 = vector.broadcast %mul3A : f32 to vector<1024x64xf32>
    %mul3A_3 = arith.mulf %get3A_1, %mul3A_2 : vector<1024x64xf32>
    %get3A_4 = arith.constant 0 : index
    %get3A_5 = arith.constant 0 : index
    %get3A_6 = vector.load %arg2[%get3A_4, %get3A_5] : memref<1024x1xf32, #tpu.memory_space<vmem>>, vector<1024x1xf32>
    %get3A_7 = arith.constant 0 : index
    %get3A_8 = arith.constant 0 : index
    %get3A_9 = vector.load %arg1[%get3A_7, %get3A_8] : memref<1024x128xf32, #tpu.memory_space<vmem>>, vector<1024x64xf32>
    %sub3A = arith.constant 1.000000e+00 : f32
    %sub3A_10 = vector.broadcast %sub3A : f32 to vector<1024x1xf32>
    %sub3A_11 = arith.subf %sub3A_10, %get3A_6 : vector<1024x1xf32>
    %mul3A_12 = vector.broadcast %sub3A_11 : vector<1024x1xf32> to vector<1024x64xf32>
    %mul3A_13 = arith.mulf %get3A_9, %mul3A_12 : vector<1024x64xf32>
    %get3A_14 = arith.constant 0 : index
    %get3A_15 = arith.constant 64 : index
    %get3A_16 = vector.load %arg1[%get3A_14, %get3A_15] : memref<1024x128xf32, #tpu.memory_space<vmem>>, vector<1024x64xf32>
    %mul3A_17 = vector.broadcast %get3A_6 : vector<1024x1xf32> to vector<1024x64xf32>
    %mul3A_18 = arith.mulf %get3A_16, %mul3A_17 : vector<1024x64xf32>
    %add3A = arith.addf %mul3A_13, %mul3A_18 : vector<1024x64xf32>
    %mul3A_19 = arith.mulf %mul3A_3, %add3A : vector<1024x64xf32>
    %reduce_sum3A = arith.constant dense<0.000000e+00> : vector<1024xf32>
    %reduce_sum3A_20 = vector.multi_reduction <add>, %mul3A_19, %reduce_sum3A [1] : vector<1024x64xf32> to vector<1024xf32>
    %broadcast_in_dim3A = vector.shape_cast %reduce_sum3A_20 : vector<1024xf32> to vector<1024x1xf32>
    %get3A_21 = arith.constant 0 : index
    %get3A_22 = arith.constant 0 : index
    %get3A_23 = vector.load %arg3[%get3A_21, %get3A_22] : memref<1024x1xf32, #tpu.memory_space<vmem>>, vector<1024x1xf32>
    %sub3A_24 = arith.subf %get3A_23, %broadcast_in_dim3A : vector<1024x1xf32>
    %mul3A_25 = arith.constant 0.693147182 : f32
    %mul3A_26 = vector.broadcast %mul3A_25 : f32 to vector<1024x1xf32>
    %mul3A_27 = arith.mulf %sub3A_24, %mul3A_26 : vector<1024x1xf32>
    %reduce_sum3A_28 = vector.shape_cast %mul3A_27 : vector<1024x1xf32> to vector<1x1024x1xf32>
    %reduce_sum3A_29 = arith.constant dense<0.000000e+00> : vector<1xf32>
    %reduce_sum3A_30 = vector.multi_reduction <add>, %reduce_sum3A_28, %reduce_sum3A_29 [1, 2] : vector<1x1024x1xf32> to vector<1xf32>
    %reduce_sum3A_31 = vector.shape_cast %reduce_sum3A_30 : vector<1xf32> to vector<1x1x1xf32>
    %reduce_sum3A_32 = vector.extract %reduce_sum3A_31[0, 0, 0] : f32 from vector<1x1x1xf32>
    %div3A = arith.constant 1.024000e+03 : f32
    %div3A_33 = arith.divf %reduce_sum3A_32, %div3A : f32
    %swap3A = arith.constant 0 : index
    %swap3A_34 = arith.constant 0 : index
    %swap3A_35 = memref.load %arg4[%swap3A, %swap3A_34] : memref<1x1xf32, #tpu.memory_space<smem>>
    memref.store %div3A_33, %arg4[%swap3A, %swap3A_34] : memref<1x1xf32, #tpu.memory_space<smem>>
    return
  }
}

</mosaic_0001>

<sc_bundles>
// kernel: kernel.5.cloned.1.call-start
scs
__scs_entry_jumppad:
0x0: {  	(pc) =	sbr.rel $0x88, $3  }
0x1: {  	(tag) =	ssettag $0x0;
	lr =	simm.s32 $0x1  }
0x2: {  	[smem:$0x3F9E] =	sst lr;
	_ =	strace $0xD0000000  }
0x3: {  	_ = 	snop  }
0x4: {  	_ = 	snop  }
0x5: {  	_ = 	snop  }
0x6: {  	_ = 	snop  }
0x7: {  	_ = 	snop  }
__scs_overlays_trampoline_lowered:
0x8: {  	[smem:$0x3FAD] =	sst s0  }
0x9: {  	[smem:$0x3FAE] =	sst s1  }
0xa: {  	[smem:$0x3FAF] =	sst s2  }
0xb: {  	[smem:$0x3FB0] =	sst s3  }
0xc: {  	[smem:$0x3FB1] =	sst s4  }
0xd: {  	[smem:$0x3FB2] =	sst s5  }
0xe: {  	[smem:$0x3FB3] =	sst s6  }
0xf: {  	[smem:$0x3FB4] =	sst s7  }
0x10: {  	[smem:$0x3FB5] =	sst s8  }
0x11: {  	[smem:$0x3FB6] =	sst s9;
	s0 =	simm.s32 @!p0 $0x0  }
0x12: {  	s1 =	sld [smem:$0x3F9C];
	s0 =	simm.s32 @p0 $0x1  }
0x13: {  	[smem:$0x3FB7] =	sst s0;
	s0 =	simm.s32 @!p1 $0x0  }
0x14: {  	s2 =	sld [smem:$0x3F9B];
	s0 =	simm.s32 @p1 $0x1  }
0x15: {  	[smem:$0x3FB8] =	sst s0;
	s0 =	simm.s32 @!p2 $0x0  }
0x16: {  	s3 =	sld [smem:$0x3FDB];
	s0 =	simm.s32 @p2 $0x1  }
0x17: {  	s4 =	simm.s32 $0x1BF5;
	[smem:$0x3FBA] =	sst s0  }
0x18: {  	s0 =	sld [smem:$0x3F9D];
	_ =	swait.ge [sflag:s4], $0x0  }
0x19: {  	s7 =	sld [smem:$0x3F9E]  }
0x1a: {  	s8 =	sadd.s32 $0xFFFFE003, lr  }
0x1b: {  	s9 =	sadd.s32 $0xFFFFFEF7, lr;
	s5 =	simm.s32 $0xFFFFFFFF;
	p2 =	slt.u32 s8, $0xFFFFF086  }
0x1c: {  	p1 =	slt.u32 s9, $0xF7A;
	s5 =	simm.s32 @!p2 $0x0  }
0x1d: {  	s5 =	simm.s32 @p1 $0x1;
	p0 =	seq.s32 s7, s2  }
0x1e: {  	s7 =	smul.u32 @!p0 $0xF7A, s2;
	p2 =	seq.s32 @!p0 s5, $0x0  }
0x1f: {  	s9 =	smul.u32 $0xF7A, s1;
	s8 =	simm.s32 @!p0 $0x1BF5;
	p2 =	por !p2, p0  }
0x20: {  	[sflag:s8] =	ssyncset.s32 @!p0 $0xFFFFF086;
	s6 =	sadd.s32 @!p0 s3, s7;
	s7 =	simm.s32 @!p0 $0x108  }
0x21: {  	s3 =	sadd.s32 s3, s9;
	s6 =	sadd.s32 @!p0 $0x88, s6;
	s7 =	simm.s32 @p2 $0x1082  }
0x22: {  	[simem:s7], [sflag:s8] =	dma.local @!p0 [hbm:s6], $0xF7A  }
0x23: {  	s9 =	sor.u32 $0xD0000000, s2;
	s6 =	simm.s32 $0x108;
	_ =	swait.ge @!p0 [sflag:s8], $0x0  }
0x24: {  	s3 =	sadd.s32 $0x88, s3;
	s6 =	simm.s32 @!p1 $0x1082;
	[sflag:s4] =	ssyncset.s32 $0xFFFFF086  }
0x25: {  	[simem:s6], [sflag:s4] =	dma.local [hbm:s3], $0xF7A  }
0x26: {  	[smem:$0x3F9E] =	sst s1;
	(tag) =	ssettag s2;
	_ =	strace s9  }
0x27: {  	s1 =	sld [smem:$0x3FAE]  }
0x28: {  	s2 =	sld [smem:$0x3FAF]  }
0x29: {  	s4 =	sld [smem:$0x3FB1]  }
0x2a: {  	p0 =	seq.s32 s5, $0x0;
	s5 =	sld [smem:$0x3FB2]  }
0x2b: {  	s6 =	sld [smem:$0x3FB3]  }
0x2c: {  	s7 =	sld [smem:$0x3FB4]  }
0x2d: {  	s3 =	simm.s32 $0x108;
	s8 =	sld [smem:$0x3FB5]  }
0x2e: {  	s3 =	simm.s32 @!p0 $0x1082;
	s9 =	sld [smem:$0x3FB6]  }
0x2f: {  	lr =	sadd.s32 s0, s3;
	s0 =	sld [smem:$0x3FAD]  }
0x30: {  	s3 =	sld [smem:$0x3FB0]  }
0x31: {  	[smem:$0x3FB9] =	sst s10  }
0x32: {  	s10 =	sld [smem:$0x3FB7];
	_ =	sdelay $0x3  }
0x33: {  	p0 =	seq.s32 s10, $0x1;
	s10 =	sld [smem:$0x3FB9];
	_ =	sdelay $0x3  }
0x34: {  	[smem:$0x3FB9] =	sst s10  }
0x35: {  	s10 =	sld [smem:$0x3FB8];
	_ =	sdelay $0x3  }
0x36: {  	p1 =	seq.s32 s10, $0x1;
	s10 =	sld [smem:$0x3FB9];
	_ =	sdelay $0x3  }
0x37: {  	[smem:$0x3FB9] =	sst s10  }
0x38: {  	s10 =	sld [smem:$0x3FBA]  }
0x39: {  	_ = 	snop;
	(pc) =	sbr.ind lr, $3  }
0x3a: {  	_ = 	snop  }
0x3b: {  	_ = 	snop  }
0x3c: {  	p2 =	seq.s32 s10, $0x1;
	s10 =	sld [smem:$0x3FB9]  }
0x3d: {  	_ =	shalt  }
0x3e: {  	_ =	shalt  }
0x3f: {  	_ =	shalt  }
0x40: {  	_ =	shalt  }
0x41: {  	_ =	shalt  }
0x42: {  	_ =	shalt  }
0x43: {  	_ =	shalt  }
0x44: {  	_ =	shalt  }
0x45: {  	_ =	shalt  }
0x46: {  	_ =	shalt  }
0x47: {  	_ =	shalt  }
0x48: {  	_ =	shalt  }
0x49: {  	_ =	shalt  }
0x4a: {  	_ =	shalt  }
0x4b: {  	_ =	shalt  }
0x4c: {  	_ =	shalt  }
0x4d: {  	_ =	shalt  }
0x4e: {  	_ =	shalt  }
0x4f: {  	_ =	shalt  }
0x50: {  	_ =	shalt  }
0x51: {  	_ =	shalt  }
0x52: {  	_ =	shalt  }
0x53: {  	_ =	shalt  }
0x54: {  	_ =	shalt  }
0x55: {  	_ =	shalt  }
0x56: {  	_ =	shalt  }
0x57: {  	_ =	shalt  }
0x58: {  	_ =	shalt  }
0x59: {  	_ =	shalt  }
0x5a: {  	_ =	shalt  }
0x5b: {  	_ =	shalt  }
0x5c: {  	_ =	shalt  }
0x5d: {  	_ =	shalt  }
0x5e: {  	_ =	shalt  }
0x5f: {  	_ =	shalt  }
0x60: {  	_ =	shalt  }
0x61: {  	_ =	shalt  }
0x62: {  	_ =	shalt  }
0x63: {  	_ =	shalt  }
0x64: {  	_ =	shalt  }
0x65: {  	_ =	shalt  }
0x66: {  	_ =	shalt  }
0x67: {  	_ =	shalt  }
0x68: {  	_ =	shalt  }
0x69: {  	_ =	shalt  }
0x6a: {  	_ =	shalt  }
0x6b: {  	_ =	shalt  }
0x6c: {  	_ =	shalt  }
0x6d: {  	_ =	shalt  }
0x6e: {  	_ =	shalt  }
0x6f: {  	_ =	shalt  }
0x70: {  	_ =	shalt  }
0x71: {  	_ =	shalt  }
0x72: {  	_ =	shalt  }
0x73: {  	_ =	shalt  }
0x74: {  	_ =	shalt  }
0x75: {  	_ =	shalt  }
0x76: {  	_ =	shalt  }
0x77: {  	_ =	shalt  }
0x78: {  	_ =	shalt  }
0x79: {  	_ =	shalt  }
0x7a: {  	_ =	shalt  }
0x7b: {  	_ =	shalt  }
0x7c: {  	_ =	shalt  }
0x7d: {  	_ =	shalt  }
0x7e: {  	_ =	shalt  }
0x7f: {  	_ =	shalt  }
0x80: {  	_ =	shalt  }
0x81: {  	_ =	shalt  }
0x82: {  	_ =	shalt  }
0x83: {  	_ =	shalt  }
0x84: {  	_ =	shalt  }
0x85: {  	_ =	shalt  }
0x86: {  	_ =	shalt  }
0x87: {  	_ =	shalt  }
.Lfunc_end0:
.L_simem_size_0:
called_computation_lowered:
.L_overlay_start_0:
0x88: {  	s2 =	sld [smem:$0x3FD9]  }
0x89: {  	s3 =	sld [smem:$0x3FFE];
	_ =	sdelay $0x1  }
0x8a: {  	s1 =	srdreg.scid  }
0x8b: {  	s0 =	sand.u32 $0x1, s1  }
0x8c: {  	s17 =	sshll.u32 s0, $0xA;
	s2 =	sadd.s32 s3, s2  }
0x8d: {  	s2 =	sadd.s32 s2, s17  }
0x8e: {  	[smem:$0x3FC5] =	sst s2  }
0x8f: {  	_ = 	snop  }
0x90: {  	s2 =	sld [smem:$0x3FC8];
	(tm) =	ssettm $0x1  }
0x91: {  	s18 =	sld [smem:$0x3FFB];
	_ =	sdelay $0x3  }
0x92: {  	_ =	strace s18  }
0x93: {  	s3 =	sld [smem:$0x3FFC];
	_ =	sdelay $0x3  }
0x94: {  	_ =	strace s3  }
0x95: {  	s3 =	sld [smem:$0x3FFD];
	_ =	sdelay $0x3  }
0x96: {  	_ =	strace s3  }
0x97: {  	_ =	strace $0x8FFFFFFF  }
0x98: {  	s19 =	sld [smem:$0x3FDB];
	_ =	sdelay $0x1  }
0x99: {  	s4 =	simm.s32 $_scs_section_size  }
0x9a: {  	s5 =	simm.s32 $_size__tile_overlayer_lowered;
	s6 =	simm.s32 $_tile_overlayer_lowered  }
0x9b: {  	s22 =	simm.s32 $0x1BFF;
	s21 =	sshll.u32 s6, $0x1;
	s3 =	sadd.s32 s4, s19  }
0x9c: {  	s7 =	simm.s32 $0x0;
	s20 =	sshll.u32 s5, $0x1;
	s5 =	sadd.s32 s21, s3  }
0x9d: {  	[timem:s7], [sflag:s22] =	dma.local [hbm:s5], s20  }
0x9e: {  	_ =	swait.ge [sflag:s22], s20  }
0x9f: {  	s4 =	ssub.s32 $0x0, s20;
	[sflag:s22] =	ssyncset.done $0x0  }
0xa0: {  	[sflag:s22] =	ssyncadd.s32 s4;
	_ =	sdelay $0x1  }
0xa1: {  	s23 =	simm.s32 $0x1B8B  }
0xa2: {  	_ =	swait.ge [sflag:s23], $0x1  }
0xa3: {  	[sflag:s23] =	ssyncset.done $0x0  }
0xa4: {  	s25 =	simm.s32 $0x1B8E;
	s24 =	sld [smem:$0x3FFE];
	[sflag:s23] =	ssyncadd.s32 $0xFFFFFFFF  }
0xa5: {  	s26 =	simm.s32 $execute0_lowered;
	[smem:$0x3FD2] =	sst s25  }
0xa6: {  	s5 =	sshll.u32 s26, $0x1;
	_ =	strace $0x80000046;
	[dreg:$0x1] =	wrdreg $0xFFFFFFFF  }
0xa7: {  	s28 =	simm.s32 $_size_execute0_lowered;
	s3 =	sadd.s32 s3, s5;
	[dreg:$0x0] =	wrdreg $0x0  }
0xa8: {  	s5 =	sshll.u32 s28, $0x1;
	[dreg:$0x2] =	wrdreg s3  }
0xa9: {  	[dreg:$0x3] =	wrdreg s5  }
0xaa: {  	[dreg:$0x4] =	wrdreg $0xC0  }
0xab: {  	_ =	task [dreg:s7], $0x5FFFF  }
0xac: {  	[dreg:$0x1] =	wrdreg $0xFFFFFFFF  }
0xad: {  	[dreg:$0x0] =	wrdreg $0x60  }
0xae: {  	[dreg:$0x2] =	wrdreg s24  }
0xaf: {  	[dreg:$0x3] =	wrdreg s2  }
0xb0: {  	[dreg:$0x4] =	wrdreg $0x9  }
0xb1: {  	_ =	task.clear_ibuf [dreg:s7], $0x5FFFF;
	_ =	strace $0x90000046  }
0xb2: {  	s29 =	simm.s32 $0x9;
	_ =	strace $0x80000048  }
0xb3: {  	_ =	swait.ge [sflag:s29], $0x1  }
0xb4: {  	[sflag:s29] =	ssyncadd.s32 $0xFFFFFFFF  }
0xb5: {  	_ =	strace $0x90000048  }
0xb6: {  	_ =	sfence  }
0xb7: {  	s30 =	sld [smem:$0x0];
	_ =	sdelay $0x2  }
0xb8: {  	s31 =	sshll.u32 s1, $0xD;
	s1 =	sshrl.u32 s1, $0x2  }
0xb9: {  	s3 =	sand.u32 $0x4000, s31;
	s1 =	sadd.s32 s1, s30  }
0xba: {  	s0 =	sor.u32 s3, s0;
	s1 =	sshll.u32 s1, $0x11  }
0xbb: {  	s0 =	sor.u32 s1, s0  }
0xbc: {  	s0 =	sadd.s32 $0x8F2B, s0  }
0xbd: {  	[sflag:s0] =	ssyncadd.remote.s32 $0x1  }
0xbe: {  	_ =	sfence.sel $0xFFFF  }
0xbf: {  	[dreg:$0x0] =	wrdreg $0xFFFFFFFF;
	(pc) =	sbr.abs _section_cstart, $3  }
0xc0: {  	[dreg:$0x1] =	wrdreg $0xFFFFFFFF  }
0xc1: {  	_ =	task.clear_ibuf [dreg:s7], $0x2FFFF;
	_ =	strace $0x9FFFFFFF  }
0xc2: {  	(tm) =	ssettm $0x7FFFFFFF  }
0xc3: {  	_ =	shalt  }
tec
execute0_lowered:
.L_overlay_start_1:
0x0: {  	(tag) =	ssettag $0x1  }
0x1: {  	s4 =	rddreg [dreg:$0x0];
	s3 =	srdreg.scid  }
0x2: {  	s5 =	rddreg [dreg:$0x1];
	s6 =	sand.u32 $0x1, s3  }
0x3: {  	s0 =	rddreg [dreg:$0x2];
	s7 =	sshll.u32 s6, $0x5;
	s6 =	ssub.s32 $0x2, s6  }
0x4: {  	s2 =	simm.s32 $0x0;
	s1 =	stileid.u32;
	s9 =	sshrl.u32 s6, $0x1  }
0x5: {  	s11 =	simm.s32 $0x80;
	s10 =	simm.s32 $0x1;
	s9 =	ssub.s32 s6, s9  }
0x6: {  	p0 =	por $0x0, $0x0;
	s31 =	sshll.u32 s1, $0x6;
	s13 =	smax.u32 s9, $0x1  }
0x7: {  	[smem:$0x7FF] =	sst s2;
	s7 =	sor.u32 s7, s31;
	p1 =	sne.s32 s13, $0x1  }
.Ltmp0:
0x8: {  	s3 =	sadd.s32 $0xE00, s4;
	s8 =	sshll.u32 s7, $0x4;
	(pc) =	sbr.rel @!p1 .LBB2_3-.Ltmp0, $4  }
0x9: {  	_ =	strace $0x80000047;
	s7 =	sshrl.u32 s7, $0x3;
	s8 =	sadd.s32 s8, s4  }
0xa: {  	s4 =	sadd.s32 s7, s4;
	s12 =	sadd.s32 s5, s7;
	s9 =	simm.s32 $0x20  }
0xb: {  	s7 =	simm.s32 $0x100;
	s6 =	sadd.s32 $0xC9000, s8;
	s5 =	sadd.s32 $0xC8E00, s4  }
0xc: {  	s4 =	simm.s32 $0x2;
	s8 =	simm.s32 $0x180;
	s13 =	sadd.s32 $0xFFFFFFFF, s13  }
0xd: {  	[tilespmem:s2], [sflag:$0x2] =	stream.linear.gather [hbm4b:s12+s2], $0x20, $0x38;
	[tilespmem:$0x1180] =	vst v63  }
0xe: {  	p1 =	sne.s32 s13, $0x1  }
.Ltmp1:
0xf: {  	_ =	swait.ge [sflag:s4], $0x20;
	(pc) =	sbr.rel @!p1 .LBB2_3-.Ltmp1, $4  }
0x10: {  	[sflag:s4] =	ssyncset.done $0x0  }
0x11: {  	[sflag:s4] =	ssyncadd.s32 $0xFFFFFFE0  }
0x12: {  	v1 =	vld [tilespmem:$0x0]  }
0x13: {  	s13 =	sadd.s32 $0xFFFFFFFF, s13;
	p0 =	por $0x1, $0x1;
	v0 =	vld [tilespmem:$0x10]  }
.LBB2_2:
0x14: {  	p1 =	sne.s32 s13, $0x1;
	s13 =	sadd.s32 $0xFFFFFFFF, s13;
	_ =	sdelay $0x2  }
0x15: {  	v2 =	vshrl.u32 v1, $0x1;
	v3 =	vand.u32 $0x7FF, v1;
	v1 =	vshrl.u32 v1, $0xB  }
0x16: {  	v2 =	vand.u32 $0x7FFFF800, v2;
	v1 =	vand.u32 $0x1, v1;
	v4 =	vshrl.u32 v0, $0xB  }
0x17: {  	v2 =	vor.u32 v3, v2;
	v1 =	vcvt.s32.f32 v1;
	v3 =	vshrl.u32 v0, $0x1  }
0x18: {  	v0 =	vand.u32 $0x7FF, v0;
	[tilespmem:$0x80] =	vst v2;
	v2 =	vand.u32 $0x7FFFF800, v3;
	v3 =	vand.u32 $0x1, v4  }
0x19: {  	[tilespmem:$0x100] =	vst v1;
	v0 =	vor.u32 v0, v2;
	v1 =	vcvt.s32.f32 v3  }
0x1a: {  	[tilespmem:$0x90] =	vst v0  }
0x1b: {  	[tilespmem:$0x110] =	vst v1  }
0x1c: {  	[tilespmem:s8], [sflag:$0x1] =	stream.indirect.gather [hbm4b:s3+s9], $0x80, s11, s9, $0xb8;
	[tilespmem:$0x1180] =	vst v63  }
0x1d: {  	_ =	swait.ge [sflag:s10], $0x1000  }
0x1e: {  	[sflag:s10] =	ssyncset.done $0x0  }
0x1f: {  	[sflag:s10] =	ssyncadd.s32 $0xFFFFF000  }
0x20: {  	[hbm4b:s6+s2] =	stream.linear.scatter [tilespmem:s8], [sflag:$0x2], $0x1000, $0x38;
	[tilespmem:$0x1180] =	vst v63  }
0x21: {  	_ =	swait.ge [sflag:s4], $0x1000  }
0x22: {  	[sflag:s4] =	ssyncset.done $0x0  }
0x23: {  	[sflag:s4] =	ssyncadd.s32 $0xFFFFF000  }
0x24: {  	[hbm4b:s5+s2] =	stream.linear.scatter [tilespmem:s7], [sflag:$0x2], $0x20, $0x38;
	[tilespmem:$0x1180] =	vst v63  }
0x25: {  	_ =	swait.ge [sflag:s4], $0x20  }
0x26: {  	[sflag:s4] =	ssyncset.done $0x0  }
0x27: {  	[sflag:s4] =	ssyncadd.s32 $0xFFFFFFE0  }
0x28: {  	[tilespmem:s2], [sflag:$0x2] =	stream.linear.gather [hbm4b:s12+s2], $0x20, $0x38;
	[tilespmem:$0x1180] =	vst v63  }
.Ltmp2:
0x29: {  	_ =	swait.ge [sflag:s4], $0x20;
	(pc) =	sbr.rel @p1 .LBB2_2-.Ltmp2, $4  }
0x2a: {  	[sflag:s4] =	ssyncset.done $0x0  }
0x2b: {  	[sflag:s4] =	ssyncadd.s32 $0xFFFFFFE0  }
0x2c: {  	v1 =	vld [tilespmem:$0x0]  }
0x2d: {  	v0 =	vld [tilespmem:$0x10]  }
.LBB2_3:
0x2e: {  	_ =	sdelay $0x2  }
0x2f: {  	v2 =	vshrl.u32 @p0 v1, $0x1;
	v3 =	vand.u32 @p0 $0x7FF, v1;
	v1 =	vshrl.u32 @p0 v1, $0xB  }
0x30: {  	v2 =	vand.u32 @p0 $0x7FFFF800, v2;
	v1 =	vand.u32 @p0 $0x1, v1;
	v4 =	vshrl.u32 @p0 v0, $0xB  }
0x31: {  	v2 =	vor.u32 @p0 v3, v2;
	v1 =	vcvt.s32.f32 @p0 v1;
	v3 =	vshrl.u32 @p0 v0, $0x1  }
0x32: {  	v0 =	vand.u32 @p0 $0x7FF, v0;
	[tilespmem:$0x80] =	vst @p0 v2;
	v2 =	vand.u32 @p0 $0x7FFFF800, v3;
	v3 =	vand.u32 @p0 $0x1, v4  }
0x33: {  	[tilespmem:$0x100] =	vst @p0 v1;
	v0 =	vor.u32 @p0 v0, v2;
	v1 =	vcvt.s32.f32 @p0 v3  }
0x34: {  	[tilespmem:$0x90] =	vst @p0 v0  }
0x35: {  	[tilespmem:$0x110] =	vst @p0 v1  }
0x36: {  	[tilespmem:s8], [sflag:$0x1] =	stream.indirect.gather @p0 [hbm4b:s3+s9], $0x80, s11, s9, $0xb8;
	[tilespmem:$0x1180] =	vst v63  }
0x37: {  	_ =	swait.ge @p0 [sflag:s10], $0x1000  }
0x38: {  	[sflag:s10] =	ssyncset.done @p0 $0x0  }
0x39: {  	[sflag:s10] =	ssyncadd.s32 @p0 $0xFFFFF000  }
0x3a: {  	[hbm4b:s6+s2] =	stream.linear.scatter @p0 [tilespmem:s8], [sflag:$0x2], $0x1000, $0x38;
	[tilespmem:$0x1180] =	vst v63  }
0x3b: {  	_ =	swait.ge @p0 [sflag:s4], $0x1000  }
0x3c: {  	[sflag:s4] =	ssyncset.done @p0 $0x0  }
0x3d: {  	[sflag:s4] =	ssyncadd.s32 @p0 $0xFFFFF000  }
0x3e: {  	[hbm4b:s5+s2] =	stream.linear.scatter @p0 [tilespmem:s7], [sflag:$0x2], $0x20, $0x38;
	[tilespmem:$0x1180] =	vst v63  }
0x3f: {  	_ =	swait.ge @p0 [sflag:s4], $0x20  }
0x40: {  	[sflag:s4] =	ssyncset.done @p0 $0x0  }
0x41: {  	[sflag:s4] =	ssyncadd.s32 @p0 $0xFFFFFFE0  }
0x42: {  	[tilespmem:s2], [sflag:$0x2] =	stream.linear.gather [hbm4b:s12+s2], $0x20, $0x38;
	[tilespmem:$0x1180] =	vst v63  }
0x43: {  	_ =	swait.ge [sflag:s4], $0x20  }
0x44: {  	[sflag:s4] =	ssyncset.done $0x0  }
0x45: {  	[sflag:s4] =	ssyncadd.s32 $0xFFFFFFE0  }
0x46: {  	v54 =	vld [tilespmem:$0x0]  }
0x47: {  	v55 =	vld [tilespmem:$0x10];
	_ =	sdelay $0x3  }
0x48: {  	v56 =	vshrl.u32 v54, $0x1  }
0x49: {  	v57 =	vand.u32 $0x7FF, v54;
	v0 =	vshrl.u32 v54, $0xB;
	v58 =	vshrl.u32 v55, $0xB  }
0x4a: {  	v59 =	vshrl.u32 v55, $0x1;
	v1 =	vand.u32 $0x7FF, v55;
	v2 =	vand.u32 $0x7FFFF800, v56  }
0x4b: {  	v0 =	vand.u32 $0x1, v0;
	v60 =	vand.u32 $0x7FFFF800, v59;
	v2 =	vor.u32 v57, v2  }
0x4c: {  	v61 =	vand.u32 $0x1, v58;
	v0 =	vcvt.s32.f32 v0;
	v62 =	vor.u32 v1, v60;
	[tilespmem:$0x80] =	vst v2  }
0x4d: {  	v63 =	vcvt.s32.f32 v61;
	[tilespmem:$0x90] =	vst v62  }
0x4e: {  	[tilespmem:$0x100] =	vst v0  }
0x4f: {  	[tilespmem:$0x110] =	vst v63  }
0x50: {  	[tilespmem:s8], [sflag:$0x1] =	stream.indirect.gather [hbm4b:s3+s9], $0x80, s11, s9, $0xb8;
	[tilespmem:$0x1180] =	vst v63  }
0x51: {  	_ =	swait.ge [sflag:s10], $0x1000  }
0x52: {  	[sflag:s10] =	ssyncset.done $0x0  }
0x53: {  	[sflag:s10] =	ssyncadd.s32 $0xFFFFF000  }
0x54: {  	[hbm4b:s6+s2] =	stream.linear.scatter [tilespmem:s8], [sflag:$0x2], $0x1000, $0x38;
	[tilespmem:$0x1180] =	vst v63  }
0x55: {  	_ =	swait.ge [sflag:s4], $0x1000  }
0x56: {  	[sflag:s4] =	ssyncset.done $0x0  }
0x57: {  	[sflag:s4] =	ssyncadd.s32 $0xFFFFF000  }
0x58: {  	[hbm4b:s5+s2] =	stream.linear.scatter [tilespmem:s7], [sflag:$0x2], $0x20, $0x38;
	[tilespmem:$0x1180] =	vst v63  }
0x59: {  	_ =	swait.ge [sflag:s4], $0x20  }
0x5a: {  	[sflag:s4] =	ssyncset.done $0x0  }
0x5b: {  	[sflag:s4] =	ssyncadd.s32 $0xFFFFFFE0  }
0x5c: {  	_ =	sfence.sel $0x180000  }
0x5d: {  	[bflag:$0x0] =	sbarrier.arrive $0xFFFF  }
0x5e: {  	p0 =	sne.s32 s1, $0x0;
	_ =	strace $0x90000047  }
0x5f: {  	s0 =	sadd.s32 @!p0 $0x100000, s0;
	[bflag:$0x2] =	sbarrier.arrive $0xFFFF  }
0x60: {  	[sflag:s0] =	ssyncadd.tile.s32 @!p0 $0x1;
	_ =	shalt  }
.Lfunc_end2:
_tile_overlayer_lowered:
.L_overlay_start_2:
0x61: {  	(tag) =	ssettag $0x2  }
0x62: {  	s0 =	rddreg [dreg:$0x0];
	s2 =	stileid.u32  }
0x63: {  	s1 =	rddreg [dreg:$0x1];
	p0 =	sne.s32 s2, $0x0  }
0x64: {  	s3 =	rddreg [dreg:$0x2];
	[bflag:$0x3] =	sbarrier.arrive $0xFFFF;
	s2 =	simm.s32 @!p0 $0x1C02  }
0x65: {  	[timem:s3], [sflag:s2] =	dma.local @!p0 [hbm:s0], s1  }
0x66: {  	s0 =	simm.s32 @!p0 $0x2  }
0x67: {  	_ =	swait.ge @!p0 [sflag:s0], s1  }
0x68: {  	s1 =	ssub.s32 @!p0 $0x0, s1;
	[sflag:s0] =	ssyncset.done @!p0 $0x0  }
0x69: {  	[sflag:s0] =	ssyncadd.s32 @!p0 s1  }
0x6a: {  	[bflag:$0x3] =	sbarrier.arrive $0xFFFF  }
0x6b: {  	_ =	shalt  }

</sc_bundles>
